<compile_context>
chip_gen: v7x
topology: tpu7x:2x2x1
jax: 0.10.2.dev20260603
libtpu: 0.0.44.dev20260713+nightly
codegen_flags: <defaults>
</compile_context>

<pallas_src>
import functools

import jax
import jax.numpy as jnp
import numpy as np
from jax import lax
from jax.experimental import pallas as pl
from jax.experimental.pallas import tpu as pltpu
from jax.experimental.pallas import tpu_sc as plsc

N_NODES = 100000
N_BATCH = 4096
MAX_Z = 100
_DNUMS = lax.GatherDimensionNumbers(
    offset_dims=(), collapsed_slice_dims=(0,), start_index_map=(0,))


def _vgather(tab16, idx16):
    return lax.gather(
        tab16, idx16[:, None], _DNUMS, slice_sizes=(1,),
        mode=lax.GatherScatterMode.PROMISE_IN_BOUNDS)

NC = 2
NS = 16
NW = NC * NS
C = 3200
N_PAD = NW * C
NK = C // 128
NV = C // 16
TAB = 128
HIST = 4352
ZSL = HIST // NS
OSL = N_BATCH // NS


REM = N_NODES - 31 * C
ZFILL = C - REM


def _sc_partials(z1d, zfill, b3d, table):
    mesh = plsc.VectorSubcoreMesh(core_axis_name="c", subcore_axis_name="s")

    @functools.partial(
        pl.kernel,
        mesh=mesh,
        out_type=jax.ShapeDtypeStruct((NC * N_BATCH,), jnp.float32),
        scratch_types=[
            pltpu.VMEM((C,), jnp.int32),
            pltpu.VMEM((NK, 128), jnp.int32),
            pltpu.VMEM((C,), jnp.float32),
            pltpu.VMEM((ZSL,), jnp.float32),
            pltpu.VMEM_SHARED((HIST,), jnp.float32),
            pltpu.VMEM((TAB,), jnp.float32),
            pltpu.VMEM_SHARED((TAB,), jnp.float32),
            pltpu.SemaphoreType.DMA,
            pltpu.SemaphoreType.DMA,
            pltpu.SemaphoreType.DMA,
        ],
    )
    def k(z_hbm, zfill_hbm, b_hbm, tab_hbm, part_hbm,
          z_v, b_v, vals_v, stage_v, hist_sh, tab_v, tab_sh,
          sem_in, sem_g, sem_s):
        c = lax.axis_index("c")
        s = lax.axis_index("s")
        wid = c * NS + s

        @pl.when(wid < NW - 1)
        def _():
            pltpu.async_copy(z_hbm.at[pl.ds(wid * C, C)], z_v, sem_in)

        @pl.when(wid == NW - 1)
        def _():
            pltpu.async_copy(
                z_hbm.at[pl.ds(wid * C, REM)], z_v.at[pl.ds(0, REM)], sem_in)
            pltpu.async_copy(zfill_hbm, z_v.at[pl.ds(REM, ZFILL)], sem_in)

        pltpu.async_copy(b_hbm.at[wid], b_v, sem_in)

        @pl.when(s == 0)
        def _():
            pltpu.sync_copy(tab_hbm, tab_v)
            pltpu.sync_copy(tab_v, tab_sh)

        zero16 = jnp.zeros((16,), jnp.float32)

        def zb(i, carry):
            stage_v[pl.ds(i * 16, 16)] = zero16
            return carry

        lax.fori_loop(0, ZSL // 16, zb, 0)
        pltpu.sync_copy(stage_v, hist_sh.at[pl.ds(s * ZSL, ZSL)])

        @pl.when(wid < NW - 1)
        def _():
            pltpu.make_async_copy(
                z_hbm.at[pl.ds(wid * C, C)], z_v, sem_in).wait()

        @pl.when(wid == NW - 1)
        def _():
            pltpu.make_async_copy(
                z_hbm.at[pl.ds(wid * C, REM)], z_v.at[pl.ds(0, REM)],
                sem_in).wait()
            pltpu.make_async_copy(
                zfill_hbm, z_v.at[pl.ds(REM, ZFILL)], sem_in).wait()

        pltpu.make_async_copy(b_hbm.at[wid], b_v, sem_in).wait()

        plsc.subcore_barrier()

        pltpu.sync_copy(tab_sh, tab_v)
        tregs = [tab_v[pl.ds(k * 16, 16)] for k in range(8)]

        def pipe(j, carry):
            def vb(t, carry2):
                zv = z_v[pl.ds(j * 128 + t * 16, 16)]
                hi = zv >> 4
                lo = zv & 15
                val = _vgather(tregs[0], lo)
                for kk in range(1, 8):
                    val = jnp.where(
                        hi == kk, _vgather(tregs[kk], lo), val)
                vals_v[pl.ds(j * 128 + t * 16, 16)] = val
                return carry2

            lax.fori_loop(0, 8, vb, 0)
            pltpu.async_copy(
                vals_v.at[pl.ds(j * 128, 128)],
                hist_sh.at[b_v.at[j]],
                sem_s,
                add=True,
            )
            return carry

        lax.fori_loop(0, NK, pipe, 0)

        def sdrain(j, carry):
            pltpu.make_async_copy(
                vals_v.at[pl.ds(j * 128, 128)],
                hist_sh.at[b_v.at[j]],
                sem_s,
            ).wait()
            return carry

        lax.fori_loop(0, NK, sdrain, 0)

        plsc.subcore_barrier()

        pltpu.sync_copy(
            hist_sh.at[pl.ds(s * OSL, OSL)],
            part_hbm.at[pl.ds(c * N_BATCH + s * OSL, OSL)],
        )

    return k(z1d, zfill, b3d, table)


def _combine(out2d, part3d):
    def body(o_ref, p_ref, r_ref):
        r_ref[...] = o_ref[...] + p_ref[0] + p_ref[1]

    return pl.pallas_call(
        body,
        out_shape=jax.ShapeDtypeStruct(out2d.shape, jnp.float32),
    )(out2d, part3d)


def kernel(out, z, batch_idx, atomref, mean):
    zfill = np.zeros((ZFILL,), np.int32)
    b3d = jnp.pad(
        batch_idx.astype(jnp.int32), (0, N_PAD - N_NODES),
        constant_values=N_BATCH,
    ).reshape(NW, NK, 128)
    table = jnp.pad(atomref[:, 0] + mean[0], (0, TAB - MAX_Z))

    part = _sc_partials(z.astype(jnp.int32), zfill, b3d, table)
    res = _combine(out.reshape(32, 128), part.reshape(NC, 32, 128))
    return res.reshape(N_BATCH, 1)

# --- scband reference (transcript-rebuilt; emitter-appended) ---
"""Pipeline reference for scband-post-process-57140244906382 (READ-ONLY COPY).

The authoritative reference and input builder live on the scoring server;
editing this copy changes nothing except your own understanding.
"""

import jax, jax.numpy as jnp
import numpy as np

N_NODES = 100000
N_BATCH = 4096
MAX_Z = 100
OUT_DIM = 1


def setup_inputs(seed: int = 0) -> dict:
    key = jax.random.key(seed)
    k1, k2, k3 = jax.random.split(key, 3)
    out = jax.random.normal(k1, (N_BATCH, OUT_DIM), dtype=jnp.float32)
    z = jax.random.randint(k2, (N_NODES,), 0, MAX_Z)
    batch_idx = jnp.sort(jax.random.randint(k3, (N_NODES,), 0, N_BATCH))
    # buffers per init_kwargs
    atomref = (jnp.arange(MAX_Z, dtype=jnp.float32) * 0.01).reshape(MAX_Z, OUT_DIM)
    mean = jnp.full((OUT_DIM,), 0.05, dtype=jnp.float32)
    return {"out": out, "z": z, "batch_idx": batch_idx, "atomref": atomref, "mean": mean}


def reference(out, z, batch_idx, atomref, mean):
    # is_extensive=True path with batch_idx provided
    aref = jnp.take(atomref, z, axis=0)                      # gather: (n_node, out_dim)
    aref = jax.ops.segment_sum(aref, batch_idx, num_segments=out.shape[0])  # scatter-add
    res = out + aref
    mean_exp = jnp.broadcast_to(mean[None, :], (z.shape[0], mean.shape[0]))
    mean_sum = jax.ops.segment_sum(mean_exp, batch_idx, num_segments=out.shape[0])
    res = res + mean_sum
    return res

if __name__ == "__main__":
    import jax
    _d = setup_inputs()
    print(jax.jit(kernel)(*tuple(_d.values())))

</pallas_src>

<mosaic_0001>
#map = affine_map<(d0, d1) -> (0)>
#map1 = affine_map<(d0, d1) -> (0, 0, 0)>
module attributes {stable_mosaic.version = 14 : i64} {
  func.func @k(%arg0: i32, %arg1: i32, %arg2: memref<100000xi32, #tpu.memory_space<hbm>>, %arg3: memref<2400xi32, #tpu.memory_space<hbm>>, %arg4: memref<32x25x128xi32, #tpu.memory_space<hbm>>, %arg5: memref<128xf32, #tpu.memory_space<hbm>>, %arg6: memref<8192xf32, #tpu.memory_space<hbm>>, %arg7: memref<3200xi32, #tpu.memory_space<vmem>>, %arg8: memref<25x128xi32, #tpu.memory_space<vmem>>, %arg9: memref<3200xf32, #tpu.memory_space<vmem>>, %arg10: memref<272xf32, #tpu.memory_space<vmem>>, %arg11: memref<4352xf32, #tpu.memory_space<vmem_shared>>, %arg12: memref<128xf32, #tpu.memory_space<vmem>>, %arg13: memref<128xf32, #tpu.memory_space<vmem_shared>>, %arg14: memref<!tpu.dma_semaphore, #tpu.memory_space<semaphore_mem>>, %arg15: memref<!tpu.dma_semaphore, #tpu.memory_space<semaphore_mem>>, %arg16: memref<!tpu.dma_semaphore, #tpu.memory_space<semaphore_mem>>) attributes {dimension_semantics = [#tpu.dimension_semantics<core_parallel>, #tpu.dimension_semantics<subcore_parallel>], iteration_bounds = array<i64: 2, 16>, scalar_prefetch = 0 : i64, scratch_operands = 10 : i64, tpu.core_type = #tpu.core_type<sc_vector_subcore>, window_params = [{transform_indices = #map}, {transform_indices = #map}, {transform_indices = #map1}, {transform_indices = #map}, {transform_indices = #map}]} {
    %mul3A = arith.constant 16 : i32
    %mul3A_0 = arith.muli %arg0, %mul3A : i32
    %add3A = arith.addi %mul3A_0, %arg1 : i32
    %lt3A = arith.constant 31 : i32
    %lt3A_1 = arith.cmpi slt, %add3A, %lt3A : i32
    %convert_element_type3A = arith.extui %lt3A_1 : i1 to i32
    %cond3A = arith.constant 0 : i32
    %cond3A_2 = arith.cmpi ne, %convert_element_type3A, %cond3A : i32
    scf.if %cond3A_2 {
      %mul3A_87 = arith.constant 3200 : i32
      %mul3A_88 = arith.muli %add3A, %mul3A_87 : i32
      %dma_start3A_89 = tpu.memref_slice %arg2[%mul3A_88] : memref<100000xi32, #tpu.memory_space<hbm>> -> memref<3200xi32, #tpu.memory_space<hbm>>
      %dma_start3A_90 = tpu.memref_slice %arg2[%mul3A_88] : memref<100000xi32, #tpu.memory_space<hbm>> -> memref<3200xi32, #tpu.memory_space<hbm>>
      tpu.enqueue_dma source(%dma_start3A_90 : memref<3200xi32, #tpu.memory_space<hbm>>) target(%arg7 : memref<3200xi32, #tpu.memory_space<vmem>>) target_semaphore(%arg14 : memref<!tpu.dma_semaphore, #tpu.memory_space<semaphore_mem>>)
    } else {
    }
    %eq3A = arith.constant 31 : i32
    %eq3A_3 = arith.cmpi eq, %add3A, %eq3A : i32
    %convert_element_type3A_4 = arith.extui %eq3A_3 : i1 to i32
    %cond3A_5 = arith.constant 0 : i32
    %cond3A_6 = arith.cmpi ne, %convert_element_type3A_4, %cond3A_5 : i32
    scf.if %cond3A_6 {
      %mul3A_87 = arith.constant 3200 : i32
      %mul3A_88 = arith.muli %add3A, %mul3A_87 : i32
      %dma_start3A_89 = arith.constant 0 : i32
      %dma_start3A_90 = tpu.memref_slice %arg7[%dma_start3A_89] : memref<3200xi32, #tpu.memory_space<vmem>> -> memref<800xi32, #tpu.memory_space<vmem>>
      %dma_start3A_91 = tpu.memref_slice %arg2[%mul3A_88] : memref<100000xi32, #tpu.memory_space<hbm>> -> memref<800xi32, #tpu.memory_space<hbm>>
      %dma_start3A_92 = arith.constant 0 : i32
      %dma_start3A_93 = tpu.memref_slice %arg7[%dma_start3A_92] : memref<3200xi32, #tpu.memory_space<vmem>> -> memref<800xi32, #tpu.memory_space<vmem>>
      %dma_start3A_94 = tpu.memref_slice %arg2[%mul3A_88] : memref<100000xi32, #tpu.memory_space<hbm>> -> memref<800xi32, #tpu.memory_space<hbm>>
      tpu.enqueue_dma source(%dma_start3A_94 : memref<800xi32, #tpu.memory_space<hbm>>) target(%dma_start3A_93 : memref<800xi32, #tpu.memory_space<vmem>>) target_semaphore(%arg14 : memref<!tpu.dma_semaphore, #tpu.memory_space<semaphore_mem>>)
      %dma_start3A_95 = arith.constant 800 : i32
      %dma_start3A_96 = tpu.memref_slice %arg7[%dma_start3A_95] : memref<3200xi32, #tpu.memory_space<vmem>> -> memref<2400xi32, #tpu.memory_space<vmem>>
      %dma_start3A_97 = arith.constant 800 : i32
      %dma_start3A_98 = tpu.memref_slice %arg7[%dma_start3A_97] : memref<3200xi32, #tpu.memory_space<vmem>> -> memref<2400xi32, #tpu.memory_space<vmem>>
      tpu.enqueue_dma source(%arg3 : memref<2400xi32, #tpu.memory_space<hbm>>) target(%dma_start3A_98 : memref<2400xi32, #tpu.memory_space<vmem>>) target_semaphore(%arg14 : memref<!tpu.dma_semaphore, #tpu.memory_space<semaphore_mem>>)
    } else {
    }
    %dma_start3A = arith.constant 0 : i32
    %dma_start3A_7 = arith.constant 0 : i32
    %dma_start3A_8 = tpu.memref_slice %arg4[%add3A, %dma_start3A, %dma_start3A_7] : memref<32x25x128xi32, #tpu.memory_space<hbm>> -> memref<1x25x128xi32, #tpu.memory_space<hbm>>
    %dma_start3A_9 = tpu.memref_squeeze %dma_start3A_8 : memref<1x25x128xi32, #tpu.memory_space<hbm>> -> memref<25x128xi32, #tpu.memory_space<hbm>>
    %dma_start3A_10 = arith.constant 0 : i32
    %dma_start3A_11 = arith.constant 0 : i32
    %dma_start3A_12 = tpu.memref_slice %arg4[%add3A, %dma_start3A_10, %dma_start3A_11] : memref<32x25x128xi32, #tpu.memory_space<hbm>> -> memref<1x25x128xi32, #tpu.memory_space<hbm>>
    %dma_start3A_13 = tpu.memref_squeeze %dma_start3A_12 : memref<1x25x128xi32, #tpu.memory_space<hbm>> -> memref<25x128xi32, #tpu.memory_space<hbm>>
    tpu.enqueue_dma source(%dma_start3A_13 : memref<25x128xi32, #tpu.memory_space<hbm>>) target(%arg8 : memref<25x128xi32, #tpu.memory_space<vmem>>) target_semaphore(%arg14 : memref<!tpu.dma_semaphore, #tpu.memory_space<semaphore_mem>>)
    %eq3A_14 = arith.constant 0 : i32
    %eq3A_15 = arith.cmpi eq, %arg1, %eq3A_14 : i32
    %convert_element_type3A_16 = arith.extui %eq3A_15 : i1 to i32
    %cond3A_17 = arith.constant 0 : i32
    %cond3A_18 = arith.cmpi ne, %convert_element_type3A_16, %cond3A_17 : i32
    scf.if %cond3A_18 {
      "tpu.region"() ({
        %run_scoped3A = tpu.sem_alloc : memref<!tpu.dma_semaphore, #tpu.memory_space<semaphore_mem>>
        tpu.enqueue_dma source(%arg5 : memref<128xf32, #tpu.memory_space<hbm>>) target(%arg12 : memref<128xf32, #tpu.memory_space<vmem>>) target_semaphore(%run_scoped3A : memref<!tpu.dma_semaphore, #tpu.memory_space<semaphore_mem>>)
        tpu.wait_dma2 semaphore(%run_scoped3A : memref<!tpu.dma_semaphore, #tpu.memory_space<semaphore_mem>>) src(%arg5 : memref<128xf32, #tpu.memory_space<hbm>>) dst(%arg12 : memref<128xf32, #tpu.memory_space<vmem>>)
        tpu.yield
      }) : () -> ()
      "tpu.region"() ({
        %run_scoped3A = tpu.sem_alloc : memref<!tpu.dma_semaphore, #tpu.memory_space<semaphore_mem>>
        tpu.enqueue_dma source(%arg12 : memref<128xf32, #tpu.memory_space<vmem>>) target(%arg13 : memref<128xf32, #tpu.memory_space<vmem_shared>>) target_semaphore(%run_scoped3A : memref<!tpu.dma_semaphore, #tpu.memory_space<semaphore_mem>>)
        tpu.wait_dma2 semaphore(%run_scoped3A : memref<!tpu.dma_semaphore, #tpu.memory_space<semaphore_mem>>) src(%arg12 : memref<128xf32, #tpu.memory_space<vmem>>) dst(%arg13 : memref<128xf32, #tpu.memory_space<vmem_shared>>)
        tpu.yield
      }) : () -> ()
    } else {
    }
    %broadcast_in_dim3A = arith.constant 0.000000e+00 : f32
    %broadcast_in_dim3A_19 = vector.broadcast %broadcast_in_dim3A : f32 to vector<16xf32>
    %scan3A = arith.constant 0 : i32
    %scan3A_20 = arith.constant 0 : i32
    %scan3A_21 = arith.constant 17 : i32
    %scan3A_22 = arith.addi %scan3A_20, %scan3A_21 : i32
    %scan3A_23 = arith.constant 1 : i32
    scf.for %scan3A_87 = %scan3A_20 to %scan3A_22 step %scan3A_23  : i32 {
      %mul3A_88 = arith.constant 16 : i32
      %mul3A_89 = arith.muli %scan3A_87, %mul3A_88 : i32
      %swap3A = arith.index_cast %mul3A_89 : i32 to index
      %swap3A_90 = tpu.vector_load %arg10[%swap3A] {strides = array<i32>} : memref<272xf32, #tpu.memory_space<vmem>>, vector<16xf32>,
      %swap3A_91 = vector.shape_cast %swap3A_90 : vector<16xf32> to vector<16xf32>
      %swap3A_92 = vector.shape_cast %broadcast_in_dim3A_19 : vector<16xf32> to vector<16xf32>
      tpu.vector_store %arg10[%swap3A], %swap3A_92 {strides = array<i32>} : memref<272xf32, #tpu.memory_space<vmem>>, vector<16xf32>,
    }
    %scan3A_24 = arith.constant 17 : i32
    %mul3A_25 = arith.constant 272 : i32
    %mul3A_26 = arith.muli %arg1, %mul3A_25 : i32
    "tpu.region"() ({
      %run_scoped3A = tpu.sem_alloc : memref<!tpu.dma_semaphore, #tpu.memory_space<semaphore_mem>>
      %dma_start3A_87 = tpu.memref_slice %arg11[%mul3A_26] : memref<4352xf32, #tpu.memory_space<vmem_shared>> -> memref<272xf32, #tpu.memory_space<vmem_shared>>
      %dma_start3A_88 = tpu.memref_slice %arg11[%mul3A_26] : memref<4352xf32, #tpu.memory_space<vmem_shared>> -> memref<272xf32, #tpu.memory_space<vmem_shared>>
      tpu.enqueue_dma source(%arg10 : memref<272xf32, #tpu.memory_space<vmem>>) target(%dma_start3A_88 : memref<272xf32, #tpu.memory_space<vmem_shared>>) target_semaphore(%run_scoped3A : memref<!tpu.dma_semaphore, #tpu.memory_space<semaphore_mem>>)
      %dma_wait3A_89 = tpu.memref_slice %arg11[%mul3A_26] : memref<4352xf32, #tpu.memory_space<vmem_shared>> -> memref<272xf32, #tpu.memory_space<vmem_shared>>
      %dma_wait3A_90 = tpu.memref_slice %arg11[%mul3A_26] : memref<4352xf32, #tpu.memory_space<vmem_shared>> -> memref<272xf32, #tpu.memory_space<vmem_shared>>
      tpu.wait_dma2 semaphore(%run_scoped3A : memref<!tpu.dma_semaphore, #tpu.memory_space<semaphore_mem>>) src(%arg10 : memref<272xf32, #tpu.memory_space<vmem>>) dst(%dma_wait3A_90 : memref<272xf32, #tpu.memory_space<vmem_shared>>)
      tpu.yield
    }) : () -> ()
    %lt3A_27 = arith.constant 31 : i32
    %lt3A_28 = arith.cmpi slt, %add3A, %lt3A_27 : i32
    %convert_element_type3A_29 = arith.extui %lt3A_28 : i1 to i32
    %cond3A_30 = arith.constant 0 : i32
    %cond3A_31 = arith.cmpi ne, %convert_element_type3A_29, %cond3A_30 : i32
    scf.if %cond3A_31 {
      %mul3A_87 = arith.constant 3200 : i32
      %mul3A_88 = arith.muli %add3A, %mul3A_87 : i32
      %dma_wait3A_89 = tpu.memref_slice %arg2[%mul3A_88] : memref<100000xi32, #tpu.memory_space<hbm>> -> memref<3200xi32, #tpu.memory_space<hbm>>
      %dma_wait3A_90 = tpu.memref_slice %arg2[%mul3A_88] : memref<100000xi32, #tpu.memory_space<hbm>> -> memref<3200xi32, #tpu.memory_space<hbm>>
      tpu.wait_dma2 semaphore(%arg14 : memref<!tpu.dma_semaphore, #tpu.memory_space<semaphore_mem>>) src(%dma_wait3A_90 : memref<3200xi32, #tpu.memory_space<hbm>>) dst(%arg7 : memref<3200xi32, #tpu.memory_space<vmem>>)
    } else {
    }
    %eq3A_32 = arith.constant 31 : i32
    %eq3A_33 = arith.cmpi eq, %add3A, %eq3A_32 : i32
    %convert_element_type3A_34 = arith.extui %eq3A_33 : i1 to i32
    %cond3A_35 = arith.constant 0 : i32
    %cond3A_36 = arith.cmpi ne, %convert_element_type3A_34, %cond3A_35 : i32
    scf.if %cond3A_36 {
      %mul3A_87 = arith.constant 3200 : i32
      %mul3A_88 = arith.muli %add3A, %mul3A_87 : i32
      %dma_wait3A_89 = arith.constant 0 : i32
      %dma_wait3A_90 = tpu.memref_slice %arg7[%dma_wait3A_89] : memref<3200xi32, #tpu.memory_space<vmem>> -> memref<800xi32, #tpu.memory_space<vmem>>
      %dma_wait3A_91 = tpu.memref_slice %arg2[%mul3A_88] : memref<100000xi32, #tpu.memory_space<hbm>> -> memref<800xi32, #tpu.memory_space<hbm>>
      %dma_wait3A_92 = arith.constant 0 : i32
      %dma_wait3A_93 = tpu.memref_slice %arg7[%dma_wait3A_92] : memref<3200xi32, #tpu.memory_space<vmem>> -> memref<800xi32, #tpu.memory_space<vmem>>
      %dma_wait3A_94 = tpu.memref_slice %arg2[%mul3A_88] : memref<100000xi32, #tpu.memory_space<hbm>> -> memref<800xi32, #tpu.memory_space<hbm>>
      tpu.wait_dma2 semaphore(%arg14 : memref<!tpu.dma_semaphore, #tpu.memory_space<semaphore_mem>>) src(%dma_wait3A_94 : memref<800xi32, #tpu.memory_space<hbm>>) dst(%dma_wait3A_93 : memref<800xi32, #tpu.memory_space<vmem>>)
      %dma_wait3A_95 = arith.constant 800 : i32
      %dma_wait3A_96 = tpu.memref_slice %arg7[%dma_wait3A_95] : memref<3200xi32, #tpu.memory_space<vmem>> -> memref<2400xi32, #tpu.memory_space<vmem>>
      %dma_wait3A_97 = arith.constant 800 : i32
      %dma_wait3A_98 = tpu.memref_slice %arg7[%dma_wait3A_97] : memref<3200xi32, #tpu.memory_space<vmem>> -> memref<2400xi32, #tpu.memory_space<vmem>>
      tpu.wait_dma2 semaphore(%arg14 : memref<!tpu.dma_semaphore, #tpu.memory_space<semaphore_mem>>) src(%arg3 : memref<2400xi32, #tpu.memory_space<hbm>>) dst(%dma_wait3A_98 : memref<2400xi32, #tpu.memory_space<vmem>>)
    } else {
    }
    %dma_wait3A = arith.constant 0 : i32
    %dma_wait3A_37 = arith.constant 0 : i32
    %dma_wait3A_38 = tpu.memref_slice %arg4[%add3A, %dma_wait3A, %dma_wait3A_37] : memref<32x25x128xi32, #tpu.memory_space<hbm>> -> memref<1x25x128xi32, #tpu.memory_space<hbm>>
    %dma_wait3A_39 = tpu.memref_squeeze %dma_wait3A_38 : memref<1x25x128xi32, #tpu.memory_space<hbm>> -> memref<25x128xi32, #tpu.memory_space<hbm>>
    %dma_wait3A_40 = arith.constant 0 : i32
    %dma_wait3A_41 = arith.constant 0 : i32
    %dma_wait3A_42 = tpu.memref_slice %arg4[%add3A, %dma_wait3A_40, %dma_wait3A_41] : memref<32x25x128xi32, #tpu.memory_space<hbm>> -> memref<1x25x128xi32, #tpu.memory_space<hbm>>
    %dma_wait3A_43 = tpu.memref_squeeze %dma_wait3A_42 : memref<1x25x128xi32, #tpu.memory_space<hbm>> -> memref<25x128xi32, #tpu.memory_space<hbm>>
    tpu.wait_dma2 semaphore(%arg14 : memref<!tpu.dma_semaphore, #tpu.memory_space<semaphore_mem>>) src(%dma_wait3A_43 : memref<25x128xi32, #tpu.memory_space<hbm>>) dst(%arg8 : memref<25x128xi32, #tpu.memory_space<vmem>>)
    %barrier3A = arith.constant 0 : index
    tpu.barrier barrier_id(%barrier3A)
    "tpu.region"() ({
      %run_scoped3A = tpu.sem_alloc : memref<!tpu.dma_semaphore, #tpu.memory_space<semaphore_mem>>
      tpu.enqueue_dma source(%arg13 : memref<128xf32, #tpu.memory_space<vmem_shared>>) target(%arg12 : memref<128xf32, #tpu.memory_space<vmem>>) target_semaphore(%run_scoped3A : memref<!tpu.dma_semaphore, #tpu.memory_space<semaphore_mem>>)
      tpu.wait_dma2 semaphore(%run_scoped3A : memref<!tpu.dma_semaphore, #tpu.memory_space<semaphore_mem>>) src(%arg13 : memref<128xf32, #tpu.memory_space<vmem_shared>>) dst(%arg12 : memref<128xf32, #tpu.memory_space<vmem>>)
      tpu.yield
    }) : () -> ()
    %get3A = arith.constant 0 : index
    %get3A_44 = tpu.vector_load %arg12[%get3A] {strides = array<i32>} : memref<128xf32, #tpu.memory_space<vmem>>, vector<16xf32>,
    %get3A_45 = vector.shape_cast %get3A_44 : vector<16xf32> to vector<16xf32>
    %get3A_46 = arith.constant 16 : index
    %get3A_47 = tpu.vector_load %arg12[%get3A_46] {strides = array<i32>} : memref<128xf32, #tpu.memory_space<vmem>>, vector<16xf32>,
    %get3A_48 = vector.shape_cast %get3A_47 : vector<16xf32> to vector<16xf32>
    %get3A_49 = arith.constant 32 : index
    %get3A_50 = tpu.vector_load %arg12[%get3A_49] {strides = array<i32>} : memref<128xf32, #tpu.memory_space<vmem>>, vector<16xf32>,
    %get3A_51 = vector.shape_cast %get3A_50 : vector<16xf32> to vector<16xf32>
    %get3A_52 = arith.constant 48 : index
    %get3A_53 = tpu.vector_load %arg12[%get3A_52] {strides = array<i32>} : memref<128xf32, #tpu.memory_space<vmem>>, vector<16xf32>,
    %get3A_54 = vector.shape_cast %get3A_53 : vector<16xf32> to vector<16xf32>
    %get3A_55 = arith.constant 64 : index
    %get3A_56 = tpu.vector_load %arg12[%get3A_55] {strides = array<i32>} : memref<128xf32, #tpu.memory_space<vmem>>, vector<16xf32>,
    %get3A_57 = vector.shape_cast %get3A_56 : vector<16xf32> to vector<16xf32>
    %get3A_58 = arith.constant 80 : index
    %get3A_59 = tpu.vector_load %arg12[%get3A_58] {strides = array<i32>} : memref<128xf32, #tpu.memory_space<vmem>>, vector<16xf32>,
    %get3A_60 = vector.shape_cast %get3A_59 : vector<16xf32> to vector<16xf32>
    %get3A_61 = arith.constant 96 : index
    %get3A_62 = tpu.vector_load %arg12[%get3A_61] {strides = array<i32>} : memref<128xf32, #tpu.memory_space<vmem>>, vector<16xf32>,
    %get3A_63 = vector.shape_cast %get3A_62 : vector<16xf32> to vector<16xf32>
    %get3A_64 = arith.constant 112 : index
    %get3A_65 = tpu.vector_load %arg12[%get3A_64] {strides = array<i32>} : memref<128xf32, #tpu.memory_space<vmem>>, vector<16xf32>,
    %get3A_66 = vector.shape_cast %get3A_65 : vector<16xf32> to vector<16xf32>
    %scan3A_67 = arith.constant 0 : i32
    %scan3A_68 = arith.constant 0 : i32
    %scan3A_69 = arith.constant 25 : i32
    %scan3A_70 = arith.addi %scan3A_68, %scan3A_69 : i32
    %scan3A_71 = arith.constant 1 : i32
    scf.for %scan3A_87 = %scan3A_68 to %scan3A_70 step %scan3A_71  : i32 {
      %scan3A_88 = arith.constant 0 : i32
      %scan3A_89 = arith.constant 0 : i32
      %scan3A_90 = arith.constant 8 : i32
      %scan3A_91 = arith.addi %scan3A_89, %scan3A_90 : i32
      %scan3A_92 = arith.constant 1 : i32
      scf.for %scan3A_102 = %scan3A_89 to %scan3A_91 step %scan3A_92  : i32 {
        %mul3A_103 = arith.constant 128 : i32
        %mul3A_104 = arith.muli %scan3A_87, %mul3A_103 : i32
        %mul3A_105 = arith.constant 16 : i32
        %mul3A_106 = arith.muli %scan3A_102, %mul3A_105 : i32
        %add3A_107 = arith.addi %mul3A_104, %mul3A_106 : i32
        %get3A_108 = arith.index_cast %add3A_107 : i32 to index
        %get3A_109 = tpu.vector_load %arg7[%get3A_108] {strides = array<i32>} : memref<3200xi32, #tpu.memory_space<vmem>>, vector<16xi32>,
        %get3A_110 = vector.shape_cast %get3A_109 : vector<16xi32> to vector<16xi32>
        %shift_right_arithmetic3A = arith.constant 4 : i32
        %shift_right_arithmetic3A_111 = vector.broadcast %shift_right_arithmetic3A : i32 to vector<16xi32>
        %shift_right_arithmetic3A_112 = arith.shrsi %get3A_110, %shift_right_arithmetic3A_111 : vector<16xi32>
        %and3A = arith.constant 15 : i32
        %and3A_113 = vector.broadcast %and3A : i32 to vector<16xi32>
        %and3A_114 = arith.andi %get3A_110, %and3A_113 : vector<16xi32>
        %broadcast_in_dim3A_115 = vector.shape_cast %and3A_114 : vector<16xi32> to vector<16x1xi32>
        %gather3A = vector.shape_cast %broadcast_in_dim3A_115 : vector<16x1xi32> to vector<16xi32>
        %gather3A_116 = tpu.dynamic_gather %get3A_45[%gather3A] in [0] : vector<16xf32>, vector<16xi32> -> vector<16xf32>
        %eq3A_117 = arith.constant 1 : i32
        %eq3A_118 = vector.broadcast %eq3A_117 : i32 to vector<16xi32>
        %eq3A_119 = arith.cmpi eq, %shift_right_arithmetic3A_112, %eq3A_118 : vector<16xi32>
        %broadcast_in_dim3A_120 = vector.shape_cast %and3A_114 : vector<16xi32> to vector<16x1xi32>
        %gather3A_121 = vector.shape_cast %broadcast_in_dim3A_120 : vector<16x1xi32> to vector<16xi32>
        %gather3A_122 = tpu.dynamic_gather %get3A_48[%gather3A_121] in [0] : vector<16xf32>, vector<16xi32> -> vector<16xf32>
        %select_n3A = arith.select %eq3A_119, %gather3A_122, %gather3A_116 : vector<16xi1>, vector<16xf32>
        %eq3A_123 = arith.constant 2 : i32
        %eq3A_124 = vector.broadcast %eq3A_123 : i32 to vector<16xi32>
        %eq3A_125 = arith.cmpi eq, %shift_right_arithmetic3A_112, %eq3A_124 : vector<16xi32>
        %broadcast_in_dim3A_126 = vector.shape_cast %and3A_114 : vector<16xi32> to vector<16x1xi32>
        %gather3A_127 = vector.shape_cast %broadcast_in_dim3A_126 : vector<16x1xi32> to vector<16xi32>
        %gather3A_128 = tpu.dynamic_gather %get3A_51[%gather3A_127] in [0] : vector<16xf32>, vector<16xi32> -> vector<16xf32>
        %select_n3A_129 = arith.select %eq3A_125, %gather3A_128, %select_n3A : vector<16xi1>, vector<16xf32>
        %eq3A_130 = arith.constant 3 : i32
        %eq3A_131 = vector.broadcast %eq3A_130 : i32 to vector<16xi32>
        %eq3A_132 = arith.cmpi eq, %shift_right_arithmetic3A_112, %eq3A_131 : vector<16xi32>
        %broadcast_in_dim3A_133 = vector.shape_cast %and3A_114 : vector<16xi32> to vector<16x1xi32>
        %gather3A_134 = vector.shape_cast %broadcast_in_dim3A_133 : vector<16x1xi32> to vector<16xi32>
        %gather3A_135 = tpu.dynamic_gather %get3A_54[%gather3A_134] in [0] : vector<16xf32>, vector<16xi32> -> vector<16xf32>
        %select_n3A_136 = arith.select %eq3A_132, %gather3A_135, %select_n3A_129 : vector<16xi1>, vector<16xf32>
        %eq3A_137 = arith.constant 4 : i32
        %eq3A_138 = vector.broadcast %eq3A_137 : i32 to vector<16xi32>
        %eq3A_139 = arith.cmpi eq, %shift_right_arithmetic3A_112, %eq3A_138 : vector<16xi32>
        %broadcast_in_dim3A_140 = vector.shape_cast %and3A_114 : vector<16xi32> to vector<16x1xi32>
        %gather3A_141 = vector.shape_cast %broadcast_in_dim3A_140 : vector<16x1xi32> to vector<16xi32>
        %gather3A_142 = tpu.dynamic_gather %get3A_57[%gather3A_141] in [0] : vector<16xf32>, vector<16xi32> -> vector<16xf32>
        %select_n3A_143 = arith.select %eq3A_139, %gather3A_142, %select_n3A_136 : vector<16xi1>, vector<16xf32>
        %eq3A_144 = arith.constant 5 : i32
        %eq3A_145 = vector.broadcast %eq3A_144 : i32 to vector<16xi32>
        %eq3A_146 = arith.cmpi eq, %shift_right_arithmetic3A_112, %eq3A_145 : vector<16xi32>
        %broadcast_in_dim3A_147 = vector.shape_cast %and3A_114 : vector<16xi32> to vector<16x1xi32>
        %gather3A_148 = vector.shape_cast %broadcast_in_dim3A_147 : vector<16x1xi32> to vector<16xi32>
        %gather3A_149 = tpu.dynamic_gather %get3A_60[%gather3A_148] in [0] : vector<16xf32>, vector<16xi32> -> vector<16xf32>
        %select_n3A_150 = arith.select %eq3A_146, %gather3A_149, %select_n3A_143 : vector<16xi1>, vector<16xf32>
        %eq3A_151 = arith.constant 6 : i32
        %eq3A_152 = vector.broadcast %eq3A_151 : i32 to vector<16xi32>
        %eq3A_153 = arith.cmpi eq, %shift_right_arithmetic3A_112, %eq3A_152 : vector<16xi32>
        %broadcast_in_dim3A_154 = vector.shape_cast %and3A_114 : vector<16xi32> to vector<16x1xi32>
        %gather3A_155 = vector.shape_cast %broadcast_in_dim3A_154 : vector<16x1xi32> to vector<16xi32>
        %gather3A_156 = tpu.dynamic_gather %get3A_63[%gather3A_155] in [0] : vector<16xf32>, vector<16xi32> -> vector<16xf32>
        %select_n3A_157 = arith.select %eq3A_153, %gather3A_156, %select_n3A_150 : vector<16xi1>, vector<16xf32>
        %eq3A_158 = arith.constant 7 : i32
        %eq3A_159 = vector.broadcast %eq3A_158 : i32 to vector<16xi32>
        %eq3A_160 = arith.cmpi eq, %shift_right_arithmetic3A_112, %eq3A_159 : vector<16xi32>
        %broadcast_in_dim3A_161 = vector.shape_cast %and3A_114 : vector<16xi32> to vector<16x1xi32>
        %gather3A_162 = vector.shape_cast %broadcast_in_dim3A_161 : vector<16x1xi32> to vector<16xi32>
        %gather3A_163 = tpu.dynamic_gather %get3A_66[%gather3A_162] in [0] : vector<16xf32>, vector<16xi32> -> vector<16xf32>
        %select_n3A_164 = arith.select %eq3A_160, %gather3A_163, %select_n3A_157 : vector<16xi1>, vector<16xf32>
        %mul3A_165 = arith.constant 128 : i32
        %mul3A_166 = arith.muli %scan3A_87, %mul3A_165 : i32
        %mul3A_167 = arith.constant 16 : i32
        %mul3A_168 = arith.muli %scan3A_102, %mul3A_167 : i32
        %add3A_169 = arith.addi %mul3A_166, %mul3A_168 : i32
        %swap3A = arith.index_cast %add3A_169 : i32 to index
        %swap3A_170 = tpu.vector_load %arg9[%swap3A] {strides = array<i32>} : memref<3200xf32, #tpu.memory_space<vmem>>, vector<16xf32>,
        %swap3A_171 = vector.shape_cast %swap3A_170 : vector<16xf32> to vector<16xf32>
        %swap3A_172 = vector.shape_cast %select_n3A_164 : vector<16xf32> to vector<16xf32>
        tpu.vector_store %arg9[%swap3A], %swap3A_172 {strides = array<i32>} : memref<3200xf32, #tpu.memory_space<vmem>>, vector<16xf32>,
      }
      %scan3A_93 = arith.constant 8 : i32
      %mul3A_94 = arith.constant 128 : i32
      %mul3A_95 = arith.muli %scan3A_87, %mul3A_94 : i32
      %dma_start3A_96 = tpu.memref_slice %arg9[%mul3A_95] : memref<3200xf32, #tpu.memory_space<vmem>> -> memref<128xf32, #tpu.memory_space<vmem>>
      %dma_start3A_97 = arith.constant 0 : i32
      %dma_start3A_98 = tpu.memref_slice %arg8[%scan3A_87, %dma_start3A_97] : memref<25x128xi32, #tpu.memory_space<vmem>> -> memref<1x128xi32, #tpu.memory_space<vmem>>
      %dma_start3A_99 = tpu.memref_squeeze %dma_start3A_98 : memref<1x128xi32, #tpu.memory_space<vmem>> -> memref<128xi32, #tpu.memory_space<vmem>>
      %dma_start3A_100 = arith.constant 0 : i32
      %dma_start3A_101 = tpu.memref_slice %arg11[%dma_start3A_100] : memref<4352xf32, #tpu.memory_space<vmem_shared>> -> memref<4352xf32, #tpu.memory_space<vmem_shared>>
      tpu.enqueue_indirect_dma source(%dma_start3A_96 : memref<128xf32, #tpu.memory_space<vmem>>) target(%dma_start3A_101 : memref<4352xf32, #tpu.memory_space<vmem_shared>>) offsets(%dma_start3A_99 : memref<128xi32, #tpu.memory_space<vmem>>) semaphore(%arg16 : memref<!tpu.dma_semaphore, #tpu.memory_space<semaphore_mem>>) {add = true}
    }
    %scan3A_72 = arith.constant 25 : i32
    %scan3A_73 = arith.constant 0 : i32
    %scan3A_74 = arith.constant 0 : i32
    %scan3A_75 = arith.constant 25 : i32
    %scan3A_76 = arith.addi %scan3A_74, %scan3A_75 : i32
    %scan3A_77 = arith.constant 1 : i32
    scf.for %scan3A_87 = %scan3A_74 to %scan3A_76 step %scan3A_77  : i32 {
      %mul3A_88 = arith.constant 128 : i32
      %mul3A_89 = arith.muli %scan3A_87, %mul3A_88 : i32
      %dma_wait3A_90 = tpu.memref_slice %arg9[%mul3A_89] : memref<3200xf32, #tpu.memory_space<vmem>> -> memref<128xf32, #tpu.memory_space<vmem>>
      %dma_wait3A_91 = arith.constant 0 : i32
      %dma_wait3A_92 = tpu.memref_slice %arg8[%scan3A_87, %dma_wait3A_91] : memref<25x128xi32, #tpu.memory_space<vmem>> -> memref<1x128xi32, #tpu.memory_space<vmem>>
      %dma_wait3A_93 = tpu.memref_squeeze %dma_wait3A_92 : memref<1x128xi32, #tpu.memory_space<vmem>> -> memref<128xi32, #tpu.memory_space<vmem>>
      %dma_wait3A_94 = arith.constant 0 : i32
      %dma_wait3A_95 = tpu.memref_slice %arg11[%dma_wait3A_94] : memref<4352xf32, #tpu.memory_space<vmem_shared>> -> memref<4352xf32, #tpu.memory_space<vmem_shared>>
      tpu.wait_indirect_dma semaphore(%arg16 : memref<!tpu.dma_semaphore, #tpu.memory_space<semaphore_mem>>) src(%dma_wait3A_90 : memref<128xf32, #tpu.memory_space<vmem>>) dst(%dma_wait3A_95 : memref<4352xf32, #tpu.memory_space<vmem_shared>>)
    }
    %scan3A_78 = arith.constant 25 : i32
    %barrier3A_79 = arith.constant 0 : index
    tpu.barrier barrier_id(%barrier3A_79)
    %mul3A_80 = arith.constant 256 : i32
    %mul3A_81 = arith.muli %arg1, %mul3A_80 : i32
    %mul3A_82 = arith.constant 4096 : i32
    %mul3A_83 = arith.muli %arg0, %mul3A_82 : i32
    %mul3A_84 = arith.constant 256 : i32
    %mul3A_85 = arith.muli %arg1, %mul3A_84 : i32
    %add3A_86 = arith.addi %mul3A_83, %mul3A_85 : i32
    "tpu.region"() ({
      %run_scoped3A = tpu.sem_alloc : memref<!tpu.dma_semaphore, #tpu.memory_space<semaphore_mem>>
      %dma_start3A_87 = tpu.memref_slice %arg6[%add3A_86] : memref<8192xf32, #tpu.memory_space<hbm>> -> memref<256xf32, #tpu.memory_space<hbm>>
      %dma_start3A_88 = tpu.memref_slice %arg11[%mul3A_81] : memref<4352xf32, #tpu.memory_space<vmem_shared>> -> memref<256xf32, #tpu.memory_space<vmem_shared>>
      tpu.enqueue_dma source(%dma_start3A_88 : memref<256xf32, #tpu.memory_space<vmem_shared>>) target(%dma_start3A_87 : memref<256xf32, #tpu.memory_space<hbm>>) target_semaphore(%run_scoped3A : memref<!tpu.dma_semaphore, #tpu.memory_space<semaphore_mem>>)
      %dma_wait3A_89 = tpu.memref_slice %arg6[%add3A_86] : memref<8192xf32, #tpu.memory_space<hbm>> -> memref<256xf32, #tpu.memory_space<hbm>>
      %dma_wait3A_90 = tpu.memref_slice %arg11[%mul3A_81] : memref<4352xf32, #tpu.memory_space<vmem_shared>> -> memref<256xf32, #tpu.memory_space<vmem_shared>>
      tpu.wait_dma2 semaphore(%run_scoped3A : memref<!tpu.dma_semaphore, #tpu.memory_space<semaphore_mem>>) src(%dma_wait3A_90 : memref<256xf32, #tpu.memory_space<vmem_shared>>) dst(%dma_wait3A_89 : memref<256xf32, #tpu.memory_space<hbm>>)
      tpu.yield
    }) : () -> ()
    return
  }
}

module attributes {stable_mosaic.version = 14 : i64} {
  func.func @body(%arg0: memref<32x128xf32, #tpu.memory_space<vmem>>, %arg1: memref<2x32x128xf32, #tpu.memory_space<vmem>>, %arg2: memref<32x128xf32, #tpu.memory_space<vmem>>) attributes {dimension_semantics = [], scalar_prefetch = 0 : i64, scratch_operands = 0 : i64, tpu.core_type = #tpu.core_type<tc>} {
    %get3A = arith.constant 0 : index
    %get3A_0 = arith.constant 0 : index
    %get3A_1 = vector.load %arg0[%get3A, %get3A_0] : memref<32x128xf32, #tpu.memory_space<vmem>>, vector<32x128xf32>
    %get3A_2 = arith.constant 0 : index
    %get3A_3 = arith.constant 0 : index
    %get3A_4 = arith.constant 0 : index
    %get3A_5 = vector.load %arg1[%get3A_2, %get3A_3, %get3A_4] : memref<2x32x128xf32, #tpu.memory_space<vmem>>, vector<1x32x128xf32>
    %get3A_6 = vector.shape_cast %get3A_5 : vector<1x32x128xf32> to vector<32x128xf32>
    %add3A = arith.addf %get3A_1, %get3A_6 : vector<32x128xf32>
    %get3A_7 = arith.constant 1 : index
    %get3A_8 = arith.constant 0 : index
    %get3A_9 = arith.constant 0 : index
    %get3A_10 = vector.load %arg1[%get3A_7, %get3A_8, %get3A_9] : memref<2x32x128xf32, #tpu.memory_space<vmem>>, vector<1x32x128xf32>
    %get3A_11 = vector.shape_cast %get3A_10 : vector<1x32x128xf32> to vector<32x128xf32>
    %add3A_12 = arith.addf %add3A, %get3A_11 : vector<32x128xf32>
    %swap3A = arith.constant 0 : index
    %swap3A_13 = arith.constant 0 : index
    %swap3A_14 = vector.load %arg2[%swap3A, %swap3A_13] : memref<32x128xf32, #tpu.memory_space<vmem>>, vector<32x128xf32>
    tpu.vector_store %arg2[%swap3A, %swap3A_13], %add3A_12 {strides = array<i32>} : memref<32x128xf32, #tpu.memory_space<vmem>>, vector<32x128xf32>,
    return
  }
}

</mosaic_0001>

<sc_bundles>
// kernel: kernel.4.cloned.1.call-start
scs
__scs_entry_jumppad:
0x0: {  	(pc) =	sbr.rel $0x88, $3  }
0x1: {  	(tag) =	ssettag $0x0;
	lr =	simm.s32 $0x1  }
0x2: {  	[smem:$0x3F9C] =	sst lr;
	_ =	strace $0xD0000000  }
0x3: {  	_ = 	snop  }
0x4: {  	_ = 	snop  }
0x5: {  	_ = 	snop  }
0x6: {  	_ = 	snop  }
0x7: {  	_ = 	snop  }
__scs_overlays_trampoline_lowered:
0x8: {  	[smem:$0x3FAB] =	sst s0  }
0x9: {  	[smem:$0x3FAC] =	sst s1  }
0xa: {  	[smem:$0x3FAD] =	sst s2  }
0xb: {  	[smem:$0x3FAE] =	sst s3  }
0xc: {  	[smem:$0x3FAF] =	sst s4  }
0xd: {  	[smem:$0x3FB0] =	sst s5  }
0xe: {  	[smem:$0x3FB1] =	sst s6  }
0xf: {  	[smem:$0x3FB2] =	sst s7  }
0x10: {  	[smem:$0x3FB3] =	sst s8  }
0x11: {  	[smem:$0x3FB4] =	sst s9;
	s0 =	simm.s32 @!p0 $0x0  }
0x12: {  	s1 =	sld [smem:$0x3F9A];
	s0 =	simm.s32 @p0 $0x1  }
0x13: {  	[smem:$0x3FB5] =	sst s0;
	s0 =	simm.s32 @!p1 $0x0  }
0x14: {  	s2 =	sld [smem:$0x3F99];
	s0 =	simm.s32 @p1 $0x1  }
0x15: {  	[smem:$0x3FB6] =	sst s0;
	s0 =	simm.s32 @!p2 $0x0  }
0x16: {  	s3 =	sld [smem:$0x3FDB];
	s0 =	simm.s32 @p2 $0x1  }
0x17: {  	s4 =	simm.s32 $0x1BF5;
	[smem:$0x3FB8] =	sst s0  }
0x18: {  	s0 =	sld [smem:$0x3F9B];
	_ =	swait.ge [sflag:s4], $0x0  }
0x19: {  	s7 =	sld [smem:$0x3F9C]  }
0x1a: {  	s8 =	sadd.s32 $0xFFFFE003, lr  }
0x1b: {  	s9 =	sadd.s32 $0xFFFFFEF7, lr;
	s5 =	simm.s32 $0xFFFFFFFF;
	p2 =	slt.u32 s8, $0xFFFFF086  }
0x1c: {  	p1 =	slt.u32 s9, $0xF7A;
	s5 =	simm.s32 @!p2 $0x0  }
0x1d: {  	s5 =	simm.s32 @p1 $0x1;
	p0 =	seq.s32 s7, s2  }
0x1e: {  	s7 =	smul.u32 @!p0 $0xF7A, s2;
	p2 =	seq.s32 @!p0 s5, $0x0  }
0x1f: {  	s9 =	smul.u32 $0xF7A, s1;
	s8 =	simm.s32 @!p0 $0x1BF5;
	p2 =	por !p2, p0  }
0x20: {  	[sflag:s8] =	ssyncset.s32 @!p0 $0xFFFFF086;
	s6 =	sadd.s32 @!p0 s3, s7;
	s7 =	simm.s32 @!p0 $0x108  }
0x21: {  	s3 =	sadd.s32 s3, s9;
	s6 =	sadd.s32 @!p0 $0x88, s6;
	s7 =	simm.s32 @p2 $0x1082  }
0x22: {  	[simem:s7], [sflag:s8] =	dma.local @!p0 [hbm:s6], $0xF7A  }
0x23: {  	s9 =	sor.u32 $0xD0000000, s2;
	s6 =	simm.s32 $0x108;
	_ =	swait.ge @!p0 [sflag:s8], $0x0  }
0x24: {  	s3 =	sadd.s32 $0x88, s3;
	s6 =	simm.s32 @!p1 $0x1082;
	[sflag:s4] =	ssyncset.s32 $0xFFFFF086  }
0x25: {  	[simem:s6], [sflag:s4] =	dma.local [hbm:s3], $0xF7A  }
0x26: {  	[smem:$0x3F9C] =	sst s1;
	(tag) =	ssettag s2;
	_ =	strace s9  }
0x27: {  	s1 =	sld [smem:$0x3FAC]  }
0x28: {  	s2 =	sld [smem:$0x3FAD]  }
0x29: {  	s4 =	sld [smem:$0x3FAF]  }
0x2a: {  	p0 =	seq.s32 s5, $0x0;
	s5 =	sld [smem:$0x3FB0]  }
0x2b: {  	s6 =	sld [smem:$0x3FB1]  }
0x2c: {  	s7 =	sld [smem:$0x3FB2]  }
0x2d: {  	s3 =	simm.s32 $0x108;
	s8 =	sld [smem:$0x3FB3]  }
0x2e: {  	s3 =	simm.s32 @!p0 $0x1082;
	s9 =	sld [smem:$0x3FB4]  }
0x2f: {  	lr =	sadd.s32 s0, s3;
	s0 =	sld [smem:$0x3FAB]  }
0x30: {  	s3 =	sld [smem:$0x3FAE]  }
0x31: {  	[smem:$0x3FB7] =	sst s10  }
0x32: {  	s10 =	sld [smem:$0x3FB5];
	_ =	sdelay $0x3  }
0x33: {  	p0 =	seq.s32 s10, $0x1;
	s10 =	sld [smem:$0x3FB7];
	_ =	sdelay $0x3  }
0x34: {  	[smem:$0x3FB7] =	sst s10  }
0x35: {  	s10 =	sld [smem:$0x3FB6];
	_ =	sdelay $0x3  }
0x36: {  	p1 =	seq.s32 s10, $0x1;
	s10 =	sld [smem:$0x3FB7];
	_ =	sdelay $0x3  }
0x37: {  	[smem:$0x3FB7] =	sst s10  }
0x38: {  	s10 =	sld [smem:$0x3FB8]  }
0x39: {  	_ = 	snop;
	(pc) =	sbr.ind lr, $3  }
0x3a: {  	_ = 	snop  }
0x3b: {  	_ = 	snop  }
0x3c: {  	p2 =	seq.s32 s10, $0x1;
	s10 =	sld [smem:$0x3FB7]  }
0x3d: {  	_ =	shalt  }
0x3e: {  	_ =	shalt  }
0x3f: {  	_ =	shalt  }
0x40: {  	_ =	shalt  }
0x41: {  	_ =	shalt  }
0x42: {  	_ =	shalt  }
0x43: {  	_ =	shalt  }
0x44: {  	_ =	shalt  }
0x45: {  	_ =	shalt  }
0x46: {  	_ =	shalt  }
0x47: {  	_ =	shalt  }
0x48: {  	_ =	shalt  }
0x49: {  	_ =	shalt  }
0x4a: {  	_ =	shalt  }
0x4b: {  	_ =	shalt  }
0x4c: {  	_ =	shalt  }
0x4d: {  	_ =	shalt  }
0x4e: {  	_ =	shalt  }
0x4f: {  	_ =	shalt  }
0x50: {  	_ =	shalt  }
0x51: {  	_ =	shalt  }
0x52: {  	_ =	shalt  }
0x53: {  	_ =	shalt  }
0x54: {  	_ =	shalt  }
0x55: {  	_ =	shalt  }
0x56: {  	_ =	shalt  }
0x57: {  	_ =	shalt  }
0x58: {  	_ =	shalt  }
0x59: {  	_ =	shalt  }
0x5a: {  	_ =	shalt  }
0x5b: {  	_ =	shalt  }
0x5c: {  	_ =	shalt  }
0x5d: {  	_ =	shalt  }
0x5e: {  	_ =	shalt  }
0x5f: {  	_ =	shalt  }
0x60: {  	_ =	shalt  }
0x61: {  	_ =	shalt  }
0x62: {  	_ =	shalt  }
0x63: {  	_ =	shalt  }
0x64: {  	_ =	shalt  }
0x65: {  	_ =	shalt  }
0x66: {  	_ =	shalt  }
0x67: {  	_ =	shalt  }
0x68: {  	_ =	shalt  }
0x69: {  	_ =	shalt  }
0x6a: {  	_ =	shalt  }
0x6b: {  	_ =	shalt  }
0x6c: {  	_ =	shalt  }
0x6d: {  	_ =	shalt  }
0x6e: {  	_ =	shalt  }
0x6f: {  	_ =	shalt  }
0x70: {  	_ =	shalt  }
0x71: {  	_ =	shalt  }
0x72: {  	_ =	shalt  }
0x73: {  	_ =	shalt  }
0x74: {  	_ =	shalt  }
0x75: {  	_ =	shalt  }
0x76: {  	_ =	shalt  }
0x77: {  	_ =	shalt  }
0x78: {  	_ =	shalt  }
0x79: {  	_ =	shalt  }
0x7a: {  	_ =	shalt  }
0x7b: {  	_ =	shalt  }
0x7c: {  	_ =	shalt  }
0x7d: {  	_ =	shalt  }
0x7e: {  	_ =	shalt  }
0x7f: {  	_ =	shalt  }
0x80: {  	_ =	shalt  }
0x81: {  	_ =	shalt  }
0x82: {  	_ =	shalt  }
0x83: {  	_ =	shalt  }
0x84: {  	_ =	shalt  }
0x85: {  	_ =	shalt  }
0x86: {  	_ =	shalt  }
0x87: {  	_ =	shalt  }
.Lfunc_end0:
.L_simem_size_0:
called_computation_lowered:
.L_overlay_start_0:
0x88: {  	s2 =	sld [smem:$0x3FD9]  }
0x89: {  	s3 =	sld [smem:$0x3FFE];
	_ =	sdelay $0x1  }
0x8a: {  	s1 =	srdreg.scid  }
0x8b: {  	s0 =	sand.u32 $0x1, s1  }
0x8c: {  	s17 =	sshll.u32 s0, $0xA;
	s2 =	sadd.s32 s3, s2  }
0x8d: {  	s2 =	sadd.s32 s2, s17  }
0x8e: {  	[smem:$0x3FC3] =	sst s2  }
0x8f: {  	_ = 	snop  }
0x90: {  	s2 =	sld [smem:$0x3FC8]  }
0x91: {  	s18 =	sld [smem:$0x3FD0];
	(tm) =	ssettm $0x1  }
0x92: {  	s4 =	sld [smem:$0x3FFB];
	_ =	sdelay $0x3  }
0x93: {  	_ =	strace s4  }
0x94: {  	s4 =	sld [smem:$0x3FFC];
	_ =	sdelay $0x3  }
0x95: {  	_ =	strace s4  }
0x96: {  	s4 =	sld [smem:$0x3FFD];
	_ =	sdelay $0x3  }
0x97: {  	_ =	strace s4  }
0x98: {  	_ =	strace $0x8FFFFFFF  }
0x99: {  	s19 =	sld [smem:$0x3FDB];
	_ =	sdelay $0x1  }
0x9a: {  	s5 =	simm.s32 $_scs_section_size  }
0x9b: {  	s6 =	simm.s32 $_size__tile_overlayer_lowered;
	s7 =	simm.s32 $_tile_overlayer_lowered  }
0x9c: {  	s22 =	simm.s32 $0x1BFF;
	s21 =	sshll.u32 s7, $0x1;
	s4 =	sadd.s32 s5, s19  }
0x9d: {  	s8 =	simm.s32 $0x0;
	s20 =	sshll.u32 s6, $0x1;
	s6 =	sadd.s32 s21, s4  }
0x9e: {  	[timem:s8], [sflag:s22] =	dma.local [hbm:s6], s20  }
0x9f: {  	_ =	swait.ge [sflag:s22], s20  }
0xa0: {  	s5 =	ssub.s32 $0x0, s20;
	[sflag:s22] =	ssyncset.done $0x0  }
0xa1: {  	[sflag:s22] =	ssyncadd.s32 s5;
	_ =	sdelay $0x1  }
0xa2: {  	s23 =	simm.s32 $0x1B8B  }
0xa3: {  	_ =	swait.ge [sflag:s23], $0x1  }
0xa4: {  	[sflag:s23] =	ssyncset.done $0x0  }
0xa5: {  	s25 =	simm.s32 $0x1B8E;
	s24 =	sld [smem:$0x3FFE];
	[sflag:s23] =	ssyncadd.s32 $0xFFFFFFFF  }
0xa6: {  	s26 =	simm.s32 $execute0_lowered;
	[smem:$0x3FD2] =	sst s25  }
0xa7: {  	s6 =	sshll.u32 s26, $0x1;
	_ =	strace $0x80000046;
	[dreg:$0x1] =	wrdreg $0xFFFFFFFF  }
0xa8: {  	s28 =	simm.s32 $_size_execute0_lowered;
	s4 =	sadd.s32 s4, s6;
	[dreg:$0x0] =	wrdreg $0x0  }
0xa9: {  	s6 =	sshll.u32 s28, $0x1;
	[dreg:$0x2] =	wrdreg s4  }
0xaa: {  	[dreg:$0x3] =	wrdreg s6  }
0xab: {  	[dreg:$0x4] =	wrdreg $0xC0  }
0xac: {  	_ =	task [dreg:s8], $0x5FFFF  }
0xad: {  	[dreg:$0x1] =	wrdreg $0xFFFFFFFF  }
0xae: {  	[dreg:$0x0] =	wrdreg $0x60  }
0xaf: {  	[dreg:$0x2] =	wrdreg s2  }
0xb0: {  	[dreg:$0x3] =	wrdreg s18  }
0xb1: {  	[dreg:$0x4] =	wrdreg s24  }
0xb2: {  	[dreg:$0x5] =	wrdreg $0x2C100  }
0xb3: {  	[dreg:$0x6] =	wrdreg $0x2A800  }
0xb4: {  	[dreg:$0x7] =	wrdreg $0x9  }
0xb5: {  	_ =	task.clear_ibuf [dreg:s8], $0x8FFFF;
	_ =	strace $0x90000046  }
0xb6: {  	s29 =	simm.s32 $0x9;
	_ =	strace $0x80000048  }
0xb7: {  	_ =	swait.ge [sflag:s29], $0x1  }
0xb8: {  	[sflag:s29] =	ssyncadd.s32 $0xFFFFFFFF  }
0xb9: {  	_ =	strace $0x90000048  }
0xba: {  	_ =	sfence  }
0xbb: {  	s30 =	sld [smem:$0x0];
	_ =	sdelay $0x2  }
0xbc: {  	s31 =	sshll.u32 s1, $0xD;
	s1 =	sshrl.u32 s1, $0x2  }
0xbd: {  	s3 =	sand.u32 $0x4000, s31;
	s1 =	sadd.s32 s1, s30  }
0xbe: {  	s0 =	sor.u32 s3, s0;
	s1 =	sshll.u32 s1, $0x11  }
0xbf: {  	s0 =	sor.u32 s1, s0  }
0xc0: {  	s0 =	sadd.s32 $0x8F2B, s0  }
0xc1: {  	[sflag:s0] =	ssyncadd.remote.s32 $0x1  }
0xc2: {  	_ =	sfence.sel $0xFFFF  }
0xc3: {  	[dreg:$0x0] =	wrdreg $0xFFFFFFFF;
	(pc) =	sbr.abs _section_cstart, $3  }
0xc4: {  	[dreg:$0x1] =	wrdreg $0xFFFFFFFF  }
0xc5: {  	_ =	task.clear_ibuf [dreg:s8], $0x2FFFF;
	_ =	strace $0x9FFFFFFF  }
0xc6: {  	(tm) =	ssettm $0x7FFFFFFF  }
0xc7: {  	_ =	shalt  }
tec
execute0_lowered:
.L_overlay_start_1:
0x0: {  	(tag) =	ssettag $0x1  }
0x1: {  	s8 =	rddreg [dreg:$0x0]  }
0x2: {  	s0 =	rddreg [dreg:$0x1]  }
0x3: {  	s7 =	rddreg [dreg:$0x2]  }
0x4: {  	s1 =	srdreg.scid;
	s2 =	rddreg [dreg:$0x3]  }
0x5: {  	s3 =	rddreg [dreg:$0x4];
	s4 =	stileid.u32  }
0x6: {  	s5 =	simm.s32 $0x0;
	s17 =	simm.s32 $0x2B90;
	s18 =	simm.s32 $0x80  }
0x7: {  	s19 =	simm.s32 $0x2;
	s9 =	sand.u32 $0x1, s1;
	s1 =	rddreg [dreg:$0x5]  }
0x8: {  	s21 =	simm.s32 $0x0;
	[smem:$0x7FF] =	sst s5;
	s12 =	sshll.u32 s4, $0x8  }
0x9: {  	s16 =	smul.u32 $0x440, s4;
	p0 =	sne.s32 s4, $0x0;
	s6 =	sshll.u32 s9, $0x4  }
0xa: {  	_ =	strace $0x80000047;
	s11 =	sshll.u32 s9, $0xC;
	s9 =	ssub.s32 $0x2, s9  }
0xb: {  	s20 =	sadd.s32 s12, s3;
	s13 =	sor.u32 s4, s6;
	s11 =	sor.u32 s12, s11  }
0xc: {  	s15 =	sshrl.u32 s9, $0x1;
	s31 =	sshrl.u32 s16, $0x2;
	s16 =	simm.s32 $0x1  }
0xd: {  	s20 =	sshrl.u32 s20, $0x3;
	s6 =	sshll.u32 s13, $0x9;
	s14 =	smul.u32 $0x190, s13  }
0xe: {  	s11 =	sshrl.u32 s11, $0x3;
	s15 =	ssub.s32 s9, s15;
	p1 =	seq.s32 s13, $0x1F  }
0xf: {  	s13 =	simm.s32 $0xC80;
	s10 =	sadd.s32 s6, s7;
	s6 =	sadd.s32 $0x4A00, s7  }
0x10: {  	s11 =	sadd.s32 s11, s7;
	s12 =	smax.u32 s15, $0x1;
	s15 =	simm.s32 $0x3  }
0x11: {  	s7 =	sadd.s32 s8, s14;
	s8 =	sadd.s32 $0x3070, s8;
	s9 =	sadd.s32 $0xA00, s10  }
0x12: {  	v0 =	vimm.f32 $0.0e+00;
	s10 =	sadd.s32 s31, s3;
	s11 =	sadd.s32 $0x4C00, s11;
	s14 =	simm.s32 $0x2900  }
.LBB2_1:
0x13: {  	s22 =	simm.s32 @p1 $0x0  }
0x14: {  	[tilespmem:s22], [sflag:$0x1] =	stream.linear.gather @p1 [hbm4b:s8+s22], $0x320, $0x38;
	[tilespmem:$0x2C18] =	vst v63  }
0x15: {  	s23 =	simm.s32 @p1 $0x320  }
0x16: {  	[tilespmem:s23], [sflag:$0x1] =	stream.linear.gather @p1 [hbm4b:s0+s22], $0x960, $0x38;
	[tilespmem:$0x2C18] =	vst v63  }
0x17: {  	s22 =	simm.s32 @!p1 $0x0  }
0x18: {  	[tilespmem:s22], [sflag:$0x1] =	stream.linear.gather @!p1 [hbm4b:s7+s22], $0xC80, $0x38;
	[tilespmem:$0x2C18] =	vst v63  }
0x19: {  	_ = 	snop  }
0x1a: {  	[tilespmem:s13], [sflag:$0x1] =	stream.linear.gather [hbm4b:s9+s5], $0xC80, $0x38;
	[tilespmem:$0x2C18] =	vst v63  }
0x1b: {  	s23 =	simm.s32 @!p0 $0x2B90;
	s22 =	simm.s32 @!p0 $0x0  }
0x1c: {  	[tilespmem:s23], [sflag:$0x3] =	stream.linear.gather @!p0 [hbm4b:s6+s22], $0x80, $0x38;
	[tilespmem:$0x2C18] =	vst v63  }
0x1d: {  	s22 =	simm.s32 @!p0 $0x3  }
0x1e: {  	_ =	swait.ge @!p0 [sflag:s22], $0x80  }
0x1f: {  	[sflag:s22] =	ssyncset.done @!p0 $0x0  }
0x20: {  	[sflag:s22] =	ssyncadd.s32 @!p0 $0xFFFFFF80  }
0x21: {  	[spmem:s2] =	stream.linear.scatter @!p0 [tilespmem:s23], [sflag:$0x3], $0x80, $0x38;
	[tilespmem:$0x2C18] =	vst v63  }
0x22: {  	_ =	swait.ge @!p0 [sflag:s22], $0x80  }
0x23: {  	[sflag:s22] =	ssyncset.done @!p0 $0x0  }
0x24: {  	[sflag:s22] =	ssyncadd.s32 @!p0 $0xFFFFFF80  }
0x25: {  	[tilespmem:$0x2900] =	vst v0  }
0x26: {  	[tilespmem:$0x2910] =	vst v0  }
0x27: {  	[tilespmem:$0x2920] =	vst v0  }
0x28: {  	[tilespmem:$0x2930] =	vst v0  }
0x29: {  	[tilespmem:$0x2940] =	vst v0  }
0x2a: {  	[tilespmem:$0x2950] =	vst v0  }
0x2b: {  	[tilespmem:$0x2960] =	vst v0  }
0x2c: {  	[tilespmem:$0x2970] =	vst v0  }
0x2d: {  	[tilespmem:$0x2980] =	vst v0  }
0x2e: {  	[tilespmem:$0x2990] =	vst v0  }
0x2f: {  	[tilespmem:$0x29A0] =	vst v0  }
0x30: {  	[tilespmem:$0x29B0] =	vst v0  }
0x31: {  	[tilespmem:$0x29C0] =	vst v0  }
0x32: {  	[tilespmem:$0x29D0] =	vst v0  }
0x33: {  	[tilespmem:$0x29E0] =	vst v0  }
0x34: {  	[tilespmem:$0x29F0] =	vst v0  }
0x35: {  	[tilespmem:$0x2A00] =	vst v0  }
0x36: {  	[spmem:s10] =	stream.linear.scatter [tilespmem:s14], [sflag:$0x3], $0x110, $0x38;
	[tilespmem:$0x2C18] =	vst v63  }
0x37: {  	_ =	swait.ge [sflag:s15], $0x110  }
0x38: {  	[sflag:s15] =	ssyncset.done $0x0  }
0x39: {  	s22 =	simm.s32 @p1 $0x1;
	[sflag:s15] =	ssyncadd.s32 $0xFFFFFEF0  }
0x3a: {  	_ =	swait.ge @p1 [sflag:s22], $0x320  }
0x3b: {  	[sflag:s22] =	ssyncset.done @p1 $0x0  }
0x3c: {  	[sflag:s22] =	ssyncadd.s32 @p1 $0xFFFFFCE0  }
0x3d: {  	_ =	swait.ge @p1 [sflag:s22], $0x960  }
0x3e: {  	[sflag:s22] =	ssyncset.done @p1 $0x0  }
0x3f: {  	[sflag:s22] =	ssyncadd.s32 @p1 $0xFFFFF6A0;
	s22 =	simm.s32 @!p1 $0x1  }
0x40: {  	_ =	swait.ge @!p1 [sflag:s22], $0xC80  }
0x41: {  	[sflag:s22] =	ssyncset.done @!p1 $0x0  }
0x42: {  	[sflag:s22] =	ssyncadd.s32 @!p1 $0xFFFFF380  }
0x43: {  	_ =	swait.ge [sflag:s16], $0xC80  }
0x44: {  	[sflag:s16] =	ssyncset.done $0x0  }
0x45: {  	[sflag:s16] =	ssyncadd.s32 $0xFFFFF380  }
0x46: {  	[bflag:$0x0] =	sbarrier.arrive $0xFFFF  }
0x47: {  	[tilespmem:s17], [sflag:$0x3] =	stream.linear.gather [spmem:s2], $0x80, $0x38;
	[tilespmem:$0x2C18] =	vst v63  }
0x48: {  	_ =	swait.ge [sflag:s15], $0x80  }
0x49: {  	[sflag:s15] =	ssyncset.done $0x0  }
0x4a: {  	[sflag:s15] =	ssyncadd.s32 $0xFFFFFF80  }
0x4b: {  	v1 =	vld [tilespmem:$0x2B90]  }
0x4c: {  	v2 =	vld [tilespmem:$0x2BA0]  }
0x4d: {  	v3 =	vld [tilespmem:$0x2BB0]  }
0x4e: {  	v4 =	vld [tilespmem:$0x2BC0]  }
0x4f: {  	v5 =	vld [tilespmem:$0x2BD0]  }
0x50: {  	v6 =	vld [tilespmem:$0x2BE0]  }
0x51: {  	v7 =	vld [tilespmem:$0x2BF0]  }
0x52: {  	s24 =	simm.s32 $0x0;
	s23 =	simm.s32 $0x0;
	s22 =	simm.s32 $0x1C80;
	v8 =	vld [tilespmem:$0x2C00]  }
.LBB2_2:
0x53: {  	v10 =	vmov s23;
	_ =	sdelay $0x3  }
0x54: {  	v9 =	vmov s22;
	s25 =	simm.s32 $0x0;
	s26 =	simm.s32 $0x40  }
.LBB2_3:
0x55: {  	p2 =	sne.s32 s26, $0x1C0;
	v11 =	vld.idx.msk [tilespmem:v10+s25+$0x0 ss:$0x1], $0xffff;
	_ =	sdelay $0x5  }
0x56: {  	v12 =	vand.u32 $0xF, v11  }
0x57: {  	v11 =	vshra.s32 v11, $0x4;
	v13 =	vperm.xlane v1, v12;
	v14 =	vperm.xlane v2, v12  }
0x58: {  	vm0 =	veq.s32 v11, $0x1;
	v15 =	vperm.xlane v3, v12  }
0x59: {  	v13 =	vsel vm0, v14, v13;
	vm0 =	veq.s32 v11, $0x2;
	v14 =	vperm.xlane v4, v12  }
0x5a: {  	v13 =	vsel vm0, v15, v13;
	vm0 =	veq.s32 v11, $0x3;
	v15 =	vperm.xlane v5, v12  }
0x5b: {  	v13 =	vsel vm0, v14, v13;
	vm0 =	veq.s32 v11, $0x4;
	v14 =	vperm.xlane v6, v12  }
.Ltmp0:
0x5c: {  	v13 =	vsel vm0, v15, v13;
	vm0 =	veq.s32 v11, $0x5;
	v15 =	vperm.xlane v7, v12;
	(pc) =	sbr.rel @p2 .LBB2_3-.Ltmp0, $4  }
0x5d: {  	v12 =	vperm.xlane v8, v12;
	v13 =	vsel vm0, v14, v13;
	vm0 =	veq.s32 v11, $0x6  }
0x5e: {  	v13 =	vsel vm0, v15, v13;
	vm0 =	veq.s32 v11, $0x7  }
0x5f: {  	v11 =	vsel vm0, v12, v13  }
0x60: {  	[tilespmem:v9+s25+$0x0 ss:$0x1] =	vst.idx.msk $0xffff, v11;
	s25 =	sshra.s32 s26, $0x2;
	s26 =	sadd.s32 $0x40, s26  }
0x61: {  	_ =	sdelay $0x3  }
0x62: {  	v10 =	vld.idx.msk [tilespmem:v10+s25+$0x0 ss:$0x1], $0xffff;
	_ =	sdelay $0x4  }
0x63: {  	v11 =	vand.u32 $0xF, v10  }
0x64: {  	v10 =	vshra.s32 v10, $0x4;
	v12 =	vperm.xlane v1, v11;
	v13 =	vperm.xlane v2, v11  }
0x65: {  	vm0 =	veq.s32 v10, $0x1;
	v14 =	vperm.xlane v3, v11  }
0x66: {  	vm10 =	veq.s32 v10, $0x2;
	v60 =	vperm.xlane v4, v11;
	v12 =	vsel vm0, v13, v12  }
0x67: {  	vm11 =	veq.s32 v10, $0x3;
	v61 =	vperm.xlane v5, v11;
	v12 =	vsel vm10, v14, v12  }
0x68: {  	s26 =	sshll.u32 s24, $0x7;
	s24 =	sadd.s32 $0x1, s24;
	vm12 =	veq.s32 v10, $0x4;
	v62 =	vperm.xlane v6, v11;
	v12 =	vsel vm11, v60, v12  }
0x69: {  	p2 =	sne.s32 s24, $0x19;
	vm13 =	veq.s32 v10, $0x5;
	v63 =	vperm.xlane v7, v11;
	v12 =	vsel vm12, v61, v12  }
.Ltmp1:
0x6a: {  	vm14 =	veq.s32 v10, $0x6;
	v11 =	vperm.xlane v8, v11;
	v12 =	vsel vm13, v62, v12;
	(pc) =	sbr.rel @p2 .LBB2_2-.Ltmp1, $4  }
0x6b: {  	vm15 =	veq.s32 v10, $0x7;
	v12 =	vsel vm14, v63, v12  }
0x6c: {  	s22 =	sadd.s32 $0x80, s22;
	s26 =	sand.u32 $0x3FFFFF80, s26;
	v10 =	vsel vm15, v11, v12  }
0x6d: {  	s23 =	sadd.s32 $0x80, s23;
	s31 =	sadd.s32 $0x1C80, s26;
	s26 =	sadd.s32 $0xC80, s26;
	[tilespmem:v9+s25+$0x0 ss:$0x1] =	vst.idx.msk $0xffff, v10  }
0x6e: {  	[spmem:s3] =	stream.indirect.scatter.add.f32 [tilespmem:s31], [sflag:$0x2], $0x1, s26, s18, $0xb8;
	[tilespmem:$0x2C18] =	vst v63  }
0x6f: {  	_ =	swait.ge [sflag:s19], $0x80  }
0x70: {  	[sflag:s19] =	ssyncset.done $0x0  }
0x71: {  	[sflag:s19] =	ssyncadd.s32 $0xFFFFFF80  }
0x72: {  	_ =	swait.ge [sflag:s19], $0x80  }
0x73: {  	[sflag:s19] =	ssyncset.done $0x0  }
0x74: {  	[sflag:s19] =	ssyncadd.s32 $0xFFFFFF80  }
0x75: {  	_ =	swait.ge [sflag:s19], $0x80  }
0x76: {  	[sflag:s19] =	ssyncset.done $0x0  }
0x77: {  	[sflag:s19] =	ssyncadd.s32 $0xFFFFFF80  }
0x78: {  	_ =	swait.ge [sflag:s19], $0x80  }
0x79: {  	[sflag:s19] =	ssyncset.done $0x0  }
0x7a: {  	[sflag:s19] =	ssyncadd.s32 $0xFFFFFF80  }
0x7b: {  	_ =	swait.ge [sflag:s19], $0x80  }
0x7c: {  	[sflag:s19] =	ssyncset.done $0x0  }
0x7d: {  	[sflag:s19] =	ssyncadd.s32 $0xFFFFFF80  }
0x7e: {  	_ =	swait.ge [sflag:s19], $0x80  }
0x7f: {  	[sflag:s19] =	ssyncset.done $0x0  }
0x80: {  	[sflag:s19] =	ssyncadd.s32 $0xFFFFFF80  }
0x81: {  	_ =	swait.ge [sflag:s19], $0x80  }
0x82: {  	[sflag:s19] =	ssyncset.done $0x0  }
0x83: {  	[sflag:s19] =	ssyncadd.s32 $0xFFFFFF80  }
0x84: {  	_ =	swait.ge [sflag:s19], $0x80  }
0x85: {  	[sflag:s19] =	ssyncset.done $0x0  }
0x86: {  	[sflag:s19] =	ssyncadd.s32 $0xFFFFFF80  }
0x87: {  	_ =	swait.ge [sflag:s19], $0x80  }
0x88: {  	[sflag:s19] =	ssyncset.done $0x0  }
0x89: {  	[sflag:s19] =	ssyncadd.s32 $0xFFFFFF80  }
0x8a: {  	_ =	swait.ge [sflag:s19], $0x80  }
0x8b: {  	[sflag:s19] =	ssyncset.done $0x0  }
0x8c: {  	[sflag:s19] =	ssyncadd.s32 $0xFFFFFF80  }
0x8d: {  	_ =	swait.ge [sflag:s19], $0x80  }
0x8e: {  	[sflag:s19] =	ssyncset.done $0x0  }
0x8f: {  	[sflag:s19] =	ssyncadd.s32 $0xFFFFFF80  }
0x90: {  	_ =	swait.ge [sflag:s19], $0x80  }
0x91: {  	[sflag:s19] =	ssyncset.done $0x0  }
0x92: {  	[sflag:s19] =	ssyncadd.s32 $0xFFFFFF80  }
0x93: {  	_ =	swait.ge [sflag:s19], $0x80  }
0x94: {  	[sflag:s19] =	ssyncset.done $0x0  }
0x95: {  	[sflag:s19] =	ssyncadd.s32 $0xFFFFFF80  }
0x96: {  	_ =	swait.ge [sflag:s19], $0x80  }
0x97: {  	[sflag:s19] =	ssyncset.done $0x0  }
0x98: {  	[sflag:s19] =	ssyncadd.s32 $0xFFFFFF80  }
0x99: {  	_ =	swait.ge [sflag:s19], $0x80  }
0x9a: {  	[sflag:s19] =	ssyncset.done $0x0  }
0x9b: {  	[sflag:s19] =	ssyncadd.s32 $0xFFFFFF80  }
0x9c: {  	_ =	swait.ge [sflag:s19], $0x80  }
0x9d: {  	[sflag:s19] =	ssyncset.done $0x0  }
0x9e: {  	[sflag:s19] =	ssyncadd.s32 $0xFFFFFF80  }
0x9f: {  	_ =	swait.ge [sflag:s19], $0x80  }
0xa0: {  	[sflag:s19] =	ssyncset.done $0x0  }
0xa1: {  	[sflag:s19] =	ssyncadd.s32 $0xFFFFFF80  }
0xa2: {  	_ =	swait.ge [sflag:s19], $0x80  }
0xa3: {  	[sflag:s19] =	ssyncset.done $0x0  }
0xa4: {  	[sflag:s19] =	ssyncadd.s32 $0xFFFFFF80  }
0xa5: {  	_ =	swait.ge [sflag:s19], $0x80  }
0xa6: {  	[sflag:s19] =	ssyncset.done $0x0  }
0xa7: {  	[sflag:s19] =	ssyncadd.s32 $0xFFFFFF80  }
0xa8: {  	_ =	swait.ge [sflag:s19], $0x80  }
0xa9: {  	[sflag:s19] =	ssyncset.done $0x0  }
0xaa: {  	[sflag:s19] =	ssyncadd.s32 $0xFFFFFF80  }
0xab: {  	_ =	swait.ge [sflag:s19], $0x80  }
0xac: {  	[sflag:s19] =	ssyncset.done $0x0  }
0xad: {  	[sflag:s19] =	ssyncadd.s32 $0xFFFFFF80  }
0xae: {  	_ =	swait.ge [sflag:s19], $0x80  }
0xaf: {  	[sflag:s19] =	ssyncset.done $0x0  }
0xb0: {  	[sflag:s19] =	ssyncadd.s32 $0xFFFFFF80  }
0xb1: {  	_ =	swait.ge [sflag:s19], $0x80  }
0xb2: {  	[sflag:s19] =	ssyncset.done $0x0  }
0xb3: {  	[sflag:s19] =	ssyncadd.s32 $0xFFFFFF80  }
0xb4: {  	_ =	swait.ge [sflag:s19], $0x80  }
0xb5: {  	[sflag:s19] =	ssyncset.done $0x0  }
0xb6: {  	[sflag:s19] =	ssyncadd.s32 $0xFFFFFF80  }
0xb7: {  	_ =	swait.ge [sflag:s19], $0x80  }
0xb8: {  	s21 =	sadd.s32 $0x1, s21;
	[sflag:s19] =	ssyncset.done $0x0  }
0xb9: {  	s22 =	sshll.u32 s4, $0x6;
	p2 =	sne.s32 s21, s12;
	[sflag:s19] =	ssyncadd.s32 $0xFFFFFF80  }
.Ltmp2:
0xba: {  	s22 =	sor.u32 $0x1C03, s22;
	[bflag:$0x0] =	sbarrier.arrive $0xFFFF;
	(pc) =	sbr.rel @p2 .LBB2_1-.Ltmp2, $4  }
0xbb: {  	[hbm:s11], [sflag:s22] =	dma.local [spmem:s20], $0x20  }
0xbc: {  	_ =	swait.ge [sflag:s15], $0x20  }
0xbd: {  	[sflag:s15] =	ssyncset.done $0x0  }
0xbe: {  	[sflag:s15] =	ssyncadd.s32 $0xFFFFFFE0  }
0xbf: {  	_ =	sfence.sel $0x180000  }
0xc0: {  	[bflag:$0x0] =	sbarrier.arrive $0xFFFF  }
0xc1: {  	_ =	strace $0x90000047  }
0xc2: {  	s0 =	sadd.s32 @!p0 $0x100000, s1;
	[bflag:$0x2] =	sbarrier.arrive $0xFFFF  }
0xc3: {  	[sflag:s0] =	ssyncadd.tile.s32 @!p0 $0x1;
	_ =	shalt  }
.Lfunc_end2:
_tile_overlayer_lowered:
.L_overlay_start_2:
0xc4: {  	(tag) =	ssettag $0x2  }
0xc5: {  	s0 =	rddreg [dreg:$0x0];
	s2 =	stileid.u32  }
0xc6: {  	s1 =	rddreg [dreg:$0x1];
	p0 =	sne.s32 s2, $0x0  }
0xc7: {  	s3 =	rddreg [dreg:$0x2];
	[bflag:$0x3] =	sbarrier.arrive $0xFFFF;
	s2 =	simm.s32 @!p0 $0x1C03  }
0xc8: {  	[timem:s3], [sflag:s2] =	dma.local @!p0 [hbm:s0], s1  }
0xc9: {  	s0 =	simm.s32 @!p0 $0x3  }
0xca: {  	_ =	swait.ge @!p0 [sflag:s0], s1  }
0xcb: {  	s1 =	ssub.s32 @!p0 $0x0, s1;
	[sflag:s0] =	ssyncset.done @!p0 $0x0  }
0xcc: {  	[sflag:s0] =	ssyncadd.s32 @!p0 s1  }
0xcd: {  	[bflag:$0x3] =	sbarrier.arrive $0xFFFF  }
0xce: {  	_ =	shalt  }

</sc_bundles>
